<compile_context>
chip_gen: v7x
topology: tpu7x:2x2x1
jax: 0.10.2.dev20260603
libtpu: 0.0.44.dev20260713+nightly
codegen_flags: <defaults>
</compile_context>

<pallas_src>
import functools

import jax
import jax.numpy as jnp
from jax import lax
from jax.experimental import pallas as pl
from jax.experimental.pallas import tpu as pltpu
from jax.experimental.pallas import tpu_sc as plsc

_NUM_E = 8192
_HALF = 4096
_DIM = 32
_BETA = 0.25
_BLK = 512
_N_ROWS = 16384
_GRID = _N_ROWS // _BLK
_DN = (((1,), (0,)), ((), ()))

_SC_INFO = plsc.get_sparse_core_info()
_NC = _SC_INFO.num_cores
_NS = _SC_INFO.num_subcores
_NW = _NC * _NS
_ROWS_PER_W = _N_ROWS // _NW


def _argmin_first(d, width):
    m = jnp.min(d, axis=1, keepdims=True)
    iota = lax.broadcasted_iota(jnp.int32, (_BLK, width), 1)
    idx = jnp.min(jnp.where(d == m, iota, width), axis=1, keepdims=True)
    return m, idx


def _tc_block(a16x2_ref, emb_t_ref, zl2_ref, el2_ref, z_ref, sqsum_ref):
    i = pl.program_id(0)
    inner2 = lax.dot_general(
        a16x2_ref[...], emb_t_ref[...], _DN,
        preferred_element_type=jnp.float32)
    dist = (zl2_ref[...] + el2_ref[...]) - inner2

    m1, i1 = _argmin_first(dist[:, :_HALF], _HALF)
    m2, i2 = _argmin_first(dist[:, _HALF:], _HALF)
    m1r = m1.astype(jnp.bfloat16).astype(jnp.float32)
    upper = m2 < m1r
    pick = jnp.where(upper, i2 + _HALF, i1)
    z_ref[0, 0, :] = pick[:, 0]

    @pl.when(i == 0)
    def _init():
        sqsum_ref[...] = jnp.zeros_like(sqsum_ref)

    m_pick = jnp.where(upper, m2, m1)
    sqsum_ref[...] += jnp.sum(m_pick).reshape(1, 1)


def _sc_gather_counts(table_hbm, idx_hbm, ones_hbm, zeros_hbm,
                      zq_hbm, counts_hbm,
                      idx_v, rows_v, ones_v, shared_counts, sem):
    cid = lax.axis_index("c")
    sid = lax.axis_index("s")
    wid = sid * _NC + cid
    base = wid * _ROWS_PER_W

    @pl.when(sid == 0)
    def _zero_counts():
        pltpu.sync_copy(zeros_hbm, shared_counts)

    pltpu.sync_copy(idx_hbm.at[pl.ds(base, _ROWS_PER_W)], idx_v)
    pltpu.sync_copy(ones_hbm.at[pl.ds(base, _ROWS_PER_W)], ones_v)
    pltpu.async_copy(table_hbm.at[idx_v], rows_v, sem).wait()
    pltpu.sync_copy(rows_v, zq_hbm.at[pl.ds(base, _ROWS_PER_W)])

    plsc.subcore_barrier()
    pltpu.sync_copy(ones_v, shared_counts.at[idx_v], add=True)
    plsc.subcore_barrier()

    @pl.when(sid == 0)
    def _publish():
        pltpu.sync_copy(shared_counts, counts_hbm.at[cid])


@jax.jit
def kernel(z_e, embedding):
    zp = jnp.transpose(z_e, (0, 2, 3, 1))
    flat = zp.reshape(-1, _DIM)
    a16x2 = flat.astype(jnp.bfloat16) * jnp.bfloat16(2.0)
    z_l2 = jnp.sum(zp ** 2, axis=3).reshape(-1, 1)
    e_l2 = jnp.sum(embedding ** 2, axis=1).reshape(1, _NUM_E)
    emb_t = embedding.T.astype(jnp.bfloat16)

    grid_spec = pl.GridSpec(
        grid=(_GRID,),
        in_specs=[
            pl.BlockSpec((_BLK, _DIM), lambda i: (i, 0)),
            pl.BlockSpec((_DIM, _NUM_E), lambda i: (0, 0)),
            pl.BlockSpec((_BLK, 1), lambda i: (i, 0)),
            pl.BlockSpec((1, _NUM_E), lambda i: (0, 0)),
        ],
        out_specs=[
            pl.BlockSpec((1, 1, _BLK), lambda i: (i, 0, 0)),
            pl.BlockSpec((1, 1), lambda i: (0, 0)),
        ],
    )
    z3, sqsum = pl.pallas_call(
        _tc_block,
        grid_spec=grid_spec,
        out_shape=[
            jax.ShapeDtypeStruct((_GRID, 1, _BLK), jnp.int32),
            jax.ShapeDtypeStruct((1, 1), jnp.float32),
        ],
    )(a16x2, emb_t, z_l2, e_l2)

    z = z3.reshape(_N_ROWS)

    sc_kernel = pl.kernel(
        _sc_gather_counts,
        mesh=plsc.VectorSubcoreMesh(core_axis_name="c", subcore_axis_name="s"),
        out_type=(
            jax.ShapeDtypeStruct((_N_ROWS, 128), jnp.float32),
            jax.ShapeDtypeStruct((_NC, _NUM_E), jnp.float32),
        ),
        scratch_types=[
            pltpu.VMEM((_ROWS_PER_W,), jnp.int32),
            pltpu.VMEM((_ROWS_PER_W, 128), jnp.float32),
            pltpu.VMEM((_ROWS_PER_W,), jnp.float32),
            pltpu.VMEM_SHARED((_NUM_E,), jnp.float32),
            pltpu.SemaphoreType.DMA,
        ],
    )
    table_pad = jnp.pad(embedding, ((0, 0), (0, 128 - _DIM)))
    zq_pad, counts2 = sc_kernel(
        table_pad, z,
        jnp.ones((_N_ROWS,), jnp.float32),
        jnp.zeros((_NUM_E,), jnp.float32),
    )

    zq_rows = zq_pad[:, :_DIM]
    z_q_st = flat + (zq_rows - flat)
    z_q_out = jnp.transpose(z_q_st.reshape(zp.shape), (0, 3, 1, 2))
    mse = sqsum[0, 0] / (_N_ROWS * _DIM)
    vq_loss = _BETA * mse + mse
    counts = counts2[0] + counts2[1]
    avg_probs = counts / _N_ROWS
    perplexity = jnp.exp(-jnp.sum(avg_probs * jnp.log(avg_probs + 1e-10)))
    return (vq_loss, z_q_out, perplexity, z)

# --- scband reference (transcript-rebuilt; emitter-appended) ---
"""Pipeline reference for scband-vqgancodebook-34531537060173 (READ-ONLY COPY).

The authoritative reference and input builder live on the scoring server;
editing this copy changes nothing except your own understanding.
"""

import jax, jax.numpy as jnp
import numpy as np

NUM_EMBEDDINGS = 8192
EMBEDDING_DIM = 32
BETA = 0.25


def setup_inputs(seed: int = 0) -> dict:
    key = jax.random.key(seed)
    k1, k2 = jax.random.split(key)
    z_e = jax.random.normal(k1, (16, 32, 32, 32), dtype=jnp.float32)
    embedding = jax.random.uniform(
        k2, (NUM_EMBEDDINGS, EMBEDDING_DIM), dtype=jnp.float32,
        minval=-1.0 / NUM_EMBEDDINGS, maxval=1.0 / NUM_EMBEDDINGS)
    return {"z_e": z_e, "embedding": embedding}


def reference(z_e, embedding):
    # z_e: [B, C, H, W] -> [B, H, W, C]
    zp = jnp.transpose(z_e, (0, 2, 3, 1))
    flat = zp.reshape(-1, EMBEDDING_DIM)
    z_l2 = jnp.sum(flat ** 2, axis=1, keepdims=True)
    e_l2 = jnp.sum(embedding ** 2, axis=1)
    inner = jnp.matmul(flat, embedding.T)
    distances = z_l2 + e_l2 - 2.0 * inner
    z = jnp.argmin(distances, axis=1)
    z_q = jnp.take(embedding, z, axis=0).reshape(zp.shape)
    commitment_loss = BETA * jnp.mean((zp - jax.lax.stop_gradient(z_q)) ** 2)
    e2z_loss = jnp.mean((jax.lax.stop_gradient(zp) - z_q) ** 2)
    vq_loss = commitment_loss + e2z_loss
    z_q_st = zp + jax.lax.stop_gradient(z_q - zp)
    counts = jnp.bincount(z, length=NUM_EMBEDDINGS).astype(jnp.float32)
    avg_probs = counts / flat.shape[0]
    perplexity = jnp.exp(-jnp.sum(avg_probs * jnp.log(avg_probs + 1e-10)))
    z_q_out = jnp.transpose(z_q_st, (0, 3, 1, 2))
    return (vq_loss, z_q_out, perplexity, z)

if __name__ == "__main__":
    import jax
    _d = setup_inputs()
    print(jax.jit(kernel)(*tuple(_d.values())))

</pallas_src>

<mosaic_0001>
#map = affine_map<(d0, d1) -> (0, 0)>
#map1 = affine_map<(d0, d1) -> (0)>
module attributes {stable_mosaic.version = 14 : i64} {
  func.func @_sc_gather_counts(%arg0: i32, %arg1: i32, %arg2: memref<8192x128xf32, #tpu.memory_space<hbm>>, %arg3: memref<16384xi32, #tpu.memory_space<hbm>>, %arg4: memref<16384xf32, #tpu.memory_space<hbm>>, %arg5: memref<8192xf32, #tpu.memory_space<hbm>>, %arg6: memref<16384x128xf32, #tpu.memory_space<hbm>>, %arg7: memref<2x8192xf32, #tpu.memory_space<hbm>>, %arg8: memref<512xi32, #tpu.memory_space<vmem>>, %arg9: memref<512x128xf32, #tpu.memory_space<vmem>>, %arg10: memref<512xf32, #tpu.memory_space<vmem>>, %arg11: memref<8192xf32, #tpu.memory_space<vmem_shared>>, %arg12: memref<!tpu.dma_semaphore, #tpu.memory_space<semaphore_mem>>) attributes {dimension_semantics = [#tpu.dimension_semantics<core_parallel>, #tpu.dimension_semantics<subcore_parallel>], iteration_bounds = array<i64: 2, 16>, scalar_prefetch = 0 : i64, scratch_operands = 5 : i64, tpu.core_type = #tpu.core_type<sc_vector_subcore>, window_params = [{transform_indices = #map}, {transform_indices = #map1}, {transform_indices = #map1}, {transform_indices = #map1}, {transform_indices = #map}, {transform_indices = #map}]} {
    %mul3A = arith.constant 2 : i32
    %mul3A_0 = arith.muli %arg1, %mul3A : i32
    %add3A = arith.addi %mul3A_0, %arg0 : i32
    %mul3A_1 = arith.constant 512 : i32
    %mul3A_2 = arith.muli %add3A, %mul3A_1 : i32
    %eq3A = arith.constant 0 : i32
    %eq3A_3 = arith.cmpi eq, %arg1, %eq3A : i32
    %convert_element_type3A = arith.extui %eq3A_3 : i1 to i32
    %cond3A = arith.constant 0 : i32
    %cond3A_4 = arith.cmpi ne, %convert_element_type3A, %cond3A : i32
    scf.if %cond3A_4 {
      "tpu.region"() ({
        %run_scoped3A = tpu.sem_alloc : memref<!tpu.dma_semaphore, #tpu.memory_space<semaphore_mem>>
        tpu.enqueue_dma source(%arg5 : memref<8192xf32, #tpu.memory_space<hbm>>) target(%arg11 : memref<8192xf32, #tpu.memory_space<vmem_shared>>) target_semaphore(%run_scoped3A : memref<!tpu.dma_semaphore, #tpu.memory_space<semaphore_mem>>)
        tpu.wait_dma2 semaphore(%run_scoped3A : memref<!tpu.dma_semaphore, #tpu.memory_space<semaphore_mem>>) src(%arg5 : memref<8192xf32, #tpu.memory_space<hbm>>) dst(%arg11 : memref<8192xf32, #tpu.memory_space<vmem_shared>>)
        tpu.yield
      }) : () -> ()
    } else {
    }
    "tpu.region"() ({
      %run_scoped3A = tpu.sem_alloc : memref<!tpu.dma_semaphore, #tpu.memory_space<semaphore_mem>>
      %dma_start3A_15 = tpu.memref_slice %arg3[%mul3A_2] : memref<16384xi32, #tpu.memory_space<hbm>> -> memref<512xi32, #tpu.memory_space<hbm>>
      %dma_start3A_16 = tpu.memref_slice %arg3[%mul3A_2] : memref<16384xi32, #tpu.memory_space<hbm>> -> memref<512xi32, #tpu.memory_space<hbm>>
      tpu.enqueue_dma source(%dma_start3A_16 : memref<512xi32, #tpu.memory_space<hbm>>) target(%arg8 : memref<512xi32, #tpu.memory_space<vmem>>) target_semaphore(%run_scoped3A : memref<!tpu.dma_semaphore, #tpu.memory_space<semaphore_mem>>)
      %dma_wait3A_17 = tpu.memref_slice %arg3[%mul3A_2] : memref<16384xi32, #tpu.memory_space<hbm>> -> memref<512xi32, #tpu.memory_space<hbm>>
      %dma_wait3A_18 = tpu.memref_slice %arg3[%mul3A_2] : memref<16384xi32, #tpu.memory_space<hbm>> -> memref<512xi32, #tpu.memory_space<hbm>>
      tpu.wait_dma2 semaphore(%run_scoped3A : memref<!tpu.dma_semaphore, #tpu.memory_space<semaphore_mem>>) src(%dma_wait3A_18 : memref<512xi32, #tpu.memory_space<hbm>>) dst(%arg8 : memref<512xi32, #tpu.memory_space<vmem>>)
      tpu.yield
    }) : () -> ()
    "tpu.region"() ({
      %run_scoped3A = tpu.sem_alloc : memref<!tpu.dma_semaphore, #tpu.memory_space<semaphore_mem>>
      %dma_start3A_15 = tpu.memref_slice %arg4[%mul3A_2] : memref<16384xf32, #tpu.memory_space<hbm>> -> memref<512xf32, #tpu.memory_space<hbm>>
      %dma_start3A_16 = tpu.memref_slice %arg4[%mul3A_2] : memref<16384xf32, #tpu.memory_space<hbm>> -> memref<512xf32, #tpu.memory_space<hbm>>
      tpu.enqueue_dma source(%dma_start3A_16 : memref<512xf32, #tpu.memory_space<hbm>>) target(%arg10 : memref<512xf32, #tpu.memory_space<vmem>>) target_semaphore(%run_scoped3A : memref<!tpu.dma_semaphore, #tpu.memory_space<semaphore_mem>>)
      %dma_wait3A_17 = tpu.memref_slice %arg4[%mul3A_2] : memref<16384xf32, #tpu.memory_space<hbm>> -> memref<512xf32, #tpu.memory_space<hbm>>
      %dma_wait3A_18 = tpu.memref_slice %arg4[%mul3A_2] : memref<16384xf32, #tpu.memory_space<hbm>> -> memref<512xf32, #tpu.memory_space<hbm>>
      tpu.wait_dma2 semaphore(%run_scoped3A : memref<!tpu.dma_semaphore, #tpu.memory_space<semaphore_mem>>) src(%dma_wait3A_18 : memref<512xf32, #tpu.memory_space<hbm>>) dst(%arg10 : memref<512xf32, #tpu.memory_space<vmem>>)
      tpu.yield
    }) : () -> ()
    %dma_start3A = arith.constant 0 : i32
    %dma_start3A_5 = arith.constant 0 : i32
    %dma_start3A_6 = tpu.memref_slice %arg2[%dma_start3A, %dma_start3A_5] : memref<8192x128xf32, #tpu.memory_space<hbm>> -> memref<8192x128xf32, #tpu.memory_space<hbm>>
    tpu.enqueue_indirect_dma source(%dma_start3A_6 : memref<8192x128xf32, #tpu.memory_space<hbm>>) target(%arg9 : memref<512x128xf32, #tpu.memory_space<vmem>>) offsets(%arg8 : memref<512xi32, #tpu.memory_space<vmem>>) semaphore(%arg12 : memref<!tpu.dma_semaphore, #tpu.memory_space<semaphore_mem>>)
    %dma_wait3A = arith.constant 0 : i32
    %dma_wait3A_7 = arith.constant 0 : i32
    %dma_wait3A_8 = tpu.memref_slice %arg2[%dma_wait3A, %dma_wait3A_7] : memref<8192x128xf32, #tpu.memory_space<hbm>> -> memref<8192x128xf32, #tpu.memory_space<hbm>>
    tpu.wait_indirect_dma semaphore(%arg12 : memref<!tpu.dma_semaphore, #tpu.memory_space<semaphore_mem>>) src(%dma_wait3A_8 : memref<8192x128xf32, #tpu.memory_space<hbm>>) dst(%arg9 : memref<512x128xf32, #tpu.memory_space<vmem>>)
    "tpu.region"() ({
      %run_scoped3A = tpu.sem_alloc : memref<!tpu.dma_semaphore, #tpu.memory_space<semaphore_mem>>
      %dma_start3A_15 = arith.constant 0 : i32
      %dma_start3A_16 = tpu.memref_slice %arg6[%mul3A_2, %dma_start3A_15] : memref<16384x128xf32, #tpu.memory_space<hbm>> -> memref<512x128xf32, #tpu.memory_space<hbm>>
      %dma_start3A_17 = arith.constant 0 : i32
      %dma_start3A_18 = tpu.memref_slice %arg6[%mul3A_2, %dma_start3A_17] : memref<16384x128xf32, #tpu.memory_space<hbm>> -> memref<512x128xf32, #tpu.memory_space<hbm>>
      tpu.enqueue_dma source(%arg9 : memref<512x128xf32, #tpu.memory_space<vmem>>) target(%dma_start3A_18 : memref<512x128xf32, #tpu.memory_space<hbm>>) target_semaphore(%run_scoped3A : memref<!tpu.dma_semaphore, #tpu.memory_space<semaphore_mem>>)
      %dma_wait3A_19 = arith.constant 0 : i32
      %dma_wait3A_20 = tpu.memref_slice %arg6[%mul3A_2, %dma_wait3A_19] : memref<16384x128xf32, #tpu.memory_space<hbm>> -> memref<512x128xf32, #tpu.memory_space<hbm>>
      %dma_wait3A_21 = arith.constant 0 : i32
      %dma_wait3A_22 = tpu.memref_slice %arg6[%mul3A_2, %dma_wait3A_21] : memref<16384x128xf32, #tpu.memory_space<hbm>> -> memref<512x128xf32, #tpu.memory_space<hbm>>
      tpu.wait_dma2 semaphore(%run_scoped3A : memref<!tpu.dma_semaphore, #tpu.memory_space<semaphore_mem>>) src(%arg9 : memref<512x128xf32, #tpu.memory_space<vmem>>) dst(%dma_wait3A_22 : memref<512x128xf32, #tpu.memory_space<hbm>>)
      tpu.yield
    }) : () -> ()
    %barrier3A = arith.constant 0 : index
    tpu.barrier barrier_id(%barrier3A)
    "tpu.region"() ({
      %run_scoped3A = tpu.sem_alloc : memref<!tpu.dma_semaphore, #tpu.memory_space<semaphore_mem>>
      %dma_start3A_15 = arith.constant 0 : i32
      %dma_start3A_16 = tpu.memref_slice %arg11[%dma_start3A_15] : memref<8192xf32, #tpu.memory_space<vmem_shared>> -> memref<8192xf32, #tpu.memory_space<vmem_shared>>
      tpu.enqueue_indirect_dma source(%arg10 : memref<512xf32, #tpu.memory_space<vmem>>) target(%dma_start3A_16 : memref<8192xf32, #tpu.memory_space<vmem_shared>>) offsets(%arg8 : memref<512xi32, #tpu.memory_space<vmem>>) semaphore(%run_scoped3A : memref<!tpu.dma_semaphore, #tpu.memory_space<semaphore_mem>>) {add = true}
      %dma_wait3A_17 = arith.constant 0 : i32
      %dma_wait3A_18 = tpu.memref_slice %arg11[%dma_wait3A_17] : memref<8192xf32, #tpu.memory_space<vmem_shared>> -> memref<8192xf32, #tpu.memory_space<vmem_shared>>
      tpu.wait_indirect_dma semaphore(%run_scoped3A : memref<!tpu.dma_semaphore, #tpu.memory_space<semaphore_mem>>) src(%arg10 : memref<512xf32, #tpu.memory_space<vmem>>) dst(%dma_wait3A_18 : memref<8192xf32, #tpu.memory_space<vmem_shared>>)
      tpu.yield
    }) : () -> ()
    %barrier3A_9 = arith.constant 0 : index
    tpu.barrier barrier_id(%barrier3A_9)
    %eq3A_10 = arith.constant 0 : i32
    %eq3A_11 = arith.cmpi eq, %arg1, %eq3A_10 : i32
    %convert_element_type3A_12 = arith.extui %eq3A_11 : i1 to i32
    %cond3A_13 = arith.constant 0 : i32
    %cond3A_14 = arith.cmpi ne, %convert_element_type3A_12, %cond3A_13 : i32
    scf.if %cond3A_14 {
      "tpu.region"() ({
        %run_scoped3A = tpu.sem_alloc : memref<!tpu.dma_semaphore, #tpu.memory_space<semaphore_mem>>
        %dma_start3A_15 = arith.constant 0 : i32
        %dma_start3A_16 = tpu.memref_slice %arg7[%arg0, %dma_start3A_15] : memref<2x8192xf32, #tpu.memory_space<hbm>> -> memref<1x8192xf32, #tpu.memory_space<hbm>>
        %dma_start3A_17 = tpu.memref_squeeze %dma_start3A_16 : memref<1x8192xf32, #tpu.memory_space<hbm>> -> memref<8192xf32, #tpu.memory_space<hbm>>
        tpu.enqueue_dma source(%arg11 : memref<8192xf32, #tpu.memory_space<vmem_shared>>) target(%dma_start3A_17 : memref<8192xf32, #tpu.memory_space<hbm>>) target_semaphore(%run_scoped3A : memref<!tpu.dma_semaphore, #tpu.memory_space<semaphore_mem>>)
        %dma_wait3A_18 = arith.constant 0 : i32
        %dma_wait3A_19 = tpu.memref_slice %arg7[%arg0, %dma_wait3A_18] : memref<2x8192xf32, #tpu.memory_space<hbm>> -> memref<1x8192xf32, #tpu.memory_space<hbm>>
        %dma_wait3A_20 = tpu.memref_squeeze %dma_wait3A_19 : memref<1x8192xf32, #tpu.memory_space<hbm>> -> memref<8192xf32, #tpu.memory_space<hbm>>
        tpu.wait_dma2 semaphore(%run_scoped3A : memref<!tpu.dma_semaphore, #tpu.memory_space<semaphore_mem>>) src(%arg11 : memref<8192xf32, #tpu.memory_space<vmem_shared>>) dst(%dma_wait3A_20 : memref<8192xf32, #tpu.memory_space<hbm>>)
        tpu.yield
      }) : () -> ()
    } else {
    }
    return
  }
}

module attributes {stable_mosaic.version = 14 : i64} {
  func.func @_tc_block(%arg0: i32, %arg1: memref<512x32xbf16, #tpu.memory_space<vmem>>, %arg2: memref<32x8192xbf16, #tpu.memory_space<vmem>>, %arg3: memref<512x1xf32, #tpu.memory_space<vmem>>, %arg4: memref<1x8192xf32, #tpu.memory_space<vmem>>, %arg5: memref<1x1x512xi32, #tpu.memory_space<vmem>>, %arg6: memref<1x1xf32, #tpu.memory_space<vmem>>) attributes {dimension_semantics = [#tpu.dimension_semantics<arbitrary>], iteration_bounds = array<i64: 32>, scalar_prefetch = 0 : i64, scratch_operands = 0 : i64, tpu.core_type = #tpu.core_type<tc>, window_params = [{transform_indices = @transform_0, window_bounds = array<i64: 512, 32>}, {pipeline_mode = #tpu.pipeline_mode<synchronous>, transform_indices = @transform_1, window_bounds = array<i64: 32, 8192>}, {transform_indices = @transform_2, window_bounds = array<i64: 512, 1>}, {pipeline_mode = #tpu.pipeline_mode<synchronous>, transform_indices = @transform_3, window_bounds = array<i64: 1, 8192>}, {transform_indices = @transform_4, window_bounds = array<i64: 1, 1, 512>}, {pipeline_mode = #tpu.pipeline_mode<synchronous>, transform_indices = @transform_5, window_bounds = array<i64: 1, 1>}]} {
    %get3A = arith.constant 0 : index
    %get3A_0 = arith.constant 0 : index
    %get3A_1 = vector.load %arg1[%get3A, %get3A_0] : memref<512x32xbf16, #tpu.memory_space<vmem>>, vector<512x32xbf16>
    %get3A_2 = arith.constant 0 : index
    %get3A_3 = arith.constant 0 : index
    %get3A_4 = vector.load %arg2[%get3A_2, %get3A_3] : memref<32x8192xbf16, #tpu.memory_space<vmem>>, vector<32x8192xbf16>
    %dot_general3A = arith.constant dense<0.000000e+00> : vector<512x8192xf32>
    %dot_general3A_5 = tpu.matmul %get3A_1, %get3A_4, %dot_general3A {dimension_numbers = #tpu.dot_dimension_numbers<[1], [0], [0], [1], [0, 0, 1, 1], [], []>, transpose_lhs_hint = false} : vector<512x32xbf16>, vector<32x8192xbf16>, vector<512x8192xf32> -> vector<512x8192xf32>
    %get3A_6 = arith.constant 0 : index
    %get3A_7 = arith.constant 0 : index
    %get3A_8 = vector.load %arg3[%get3A_6, %get3A_7] : memref<512x1xf32, #tpu.memory_space<vmem>>, vector<512x1xf32>
    %get3A_9 = arith.constant 0 : index
    %get3A_10 = arith.constant 0 : index
    %get3A_11 = vector.load %arg4[%get3A_9, %get3A_10] : memref<1x8192xf32, #tpu.memory_space<vmem>>, vector<1x8192xf32>
    %add3A = vector.broadcast %get3A_8 : vector<512x1xf32> to vector<512x8192xf32>
    %add3A_12 = vector.broadcast %get3A_11 : vector<1x8192xf32> to vector<512x8192xf32>
    %add3A_13 = arith.addf %add3A, %add3A_12 : vector<512x8192xf32>
    %sub3A = arith.subf %add3A_13, %dot_general3A_5 : vector<512x8192xf32>
    %slice3A = vector.extract_strided_slice %sub3A {offsets = [0, 0], sizes = [512, 4096], strides = [1, 1]} : vector<512x8192xf32> to vector<512x4096xf32>
    %reduce_min3A = arith.constant dense<0x7F800000> : vector<512xf32>
    %reduce_min3A_14 = vector.multi_reduction <minimumf>, %slice3A, %reduce_min3A [1] : vector<512x4096xf32> to vector<512xf32>
    %broadcast_in_dim3A = vector.shape_cast %reduce_min3A_14 : vector<512xf32> to vector<512x1xf32>
    %iota3A = tpu.iota {dimensions = array<i32: 1>} : vector<512x4096xi32>
    %eq3A = vector.broadcast %broadcast_in_dim3A : vector<512x1xf32> to vector<512x4096xf32>
    %eq3A_15 = arith.cmpf oeq, %slice3A, %eq3A : vector<512x4096xf32>
    %jit3A = arith.constant 4096 : i32
    %broadcast_in_dim3A_16 = vector.broadcast %jit3A : i32 to vector<512x4096xi32>
    %select_n3A = arith.select %eq3A_15, %iota3A, %broadcast_in_dim3A_16 : vector<512x4096xi1>, vector<512x4096xi32>
    %reduce_min3A_17 = arith.constant dense<2147483647> : vector<512xi32>
    %reduce_min3A_18 = vector.multi_reduction <minsi>, %select_n3A, %reduce_min3A_17 [1] : vector<512x4096xi32> to vector<512xi32>
    %broadcast_in_dim3A_19 = vector.shape_cast %reduce_min3A_18 : vector<512xi32> to vector<512x1xi32>
    %slice3A_20 = vector.extract_strided_slice %sub3A {offsets = [0, 4096], sizes = [512, 4096], strides = [1, 1]} : vector<512x8192xf32> to vector<512x4096xf32>
    %reduce_min3A_21 = arith.constant dense<0x7F800000> : vector<512xf32>
    %reduce_min3A_22 = vector.multi_reduction <minimumf>, %slice3A_20, %reduce_min3A_21 [1] : vector<512x4096xf32> to vector<512xf32>
    %broadcast_in_dim3A_23 = vector.shape_cast %reduce_min3A_22 : vector<512xf32> to vector<512x1xf32>
    %iota3A_24 = tpu.iota {dimensions = array<i32: 1>} : vector<512x4096xi32>
    %eq3A_25 = vector.broadcast %broadcast_in_dim3A_23 : vector<512x1xf32> to vector<512x4096xf32>
    %eq3A_26 = arith.cmpf oeq, %slice3A_20, %eq3A_25 : vector<512x4096xf32>
    %jit3A_27 = arith.constant 4096 : i32
    %broadcast_in_dim3A_28 = vector.broadcast %jit3A_27 : i32 to vector<512x4096xi32>
    %select_n3A_29 = arith.select %eq3A_26, %iota3A_24, %broadcast_in_dim3A_28 : vector<512x4096xi1>, vector<512x4096xi32>
    %reduce_min3A_30 = arith.constant dense<2147483647> : vector<512xi32>
    %reduce_min3A_31 = vector.multi_reduction <minsi>, %select_n3A_29, %reduce_min3A_30 [1] : vector<512x4096xi32> to vector<512xi32>
    %broadcast_in_dim3A_32 = vector.shape_cast %reduce_min3A_31 : vector<512xi32> to vector<512x1xi32>
    %convert_element_type3A = arith.truncf %broadcast_in_dim3A : vector<512x1xf32> to vector<512x1xbf16>
    %convert_element_type3A_33 = arith.extf %convert_element_type3A : vector<512x1xbf16> to vector<512x1xf32>
    %lt3A = arith.cmpf olt, %broadcast_in_dim3A_23, %convert_element_type3A_33 : vector<512x1xf32>
    %add3A_34 = arith.constant 4096 : i32
    %add3A_35 = vector.broadcast %add3A_34 : i32 to vector<512x1xi32>
    %add3A_36 = arith.addi %broadcast_in_dim3A_32, %add3A_35 : vector<512x1xi32>
    %select_n3A_37 = arith.select %lt3A, %add3A_36, %broadcast_in_dim3A_19 : vector<512x1xi1>, vector<512x1xi32>
    %squeeze3A = vector.shape_cast %select_n3A_37 : vector<512x1xi32> to vector<512xi32>
    %swap3A = arith.constant 0 : index
    %swap3A_38 = arith.constant 0 : index
    %swap3A_39 = arith.constant 0 : index
    %swap3A_40 = vector.load %arg5[%swap3A, %swap3A_38, %swap3A_39] : memref<1x1x512xi32, #tpu.memory_space<vmem>>, vector<1x1x512xi32>
    %swap3A_41 = vector.shape_cast %swap3A_40 : vector<1x1x512xi32> to vector<512xi32>
    %swap3A_42 = vector.shape_cast %squeeze3A : vector<512xi32> to vector<1x1x512xi32>
    tpu.vector_store %arg5[%swap3A, %swap3A_38, %swap3A_39], %swap3A_42 {strides = array<i32>} : memref<1x1x512xi32, #tpu.memory_space<vmem>>, vector<1x1x512xi32>,
    %eq3A_43 = arith.constant 0 : i32
    %eq3A_44 = arith.cmpi eq, %arg0, %eq3A_43 : i32
    %convert_element_type3A_45 = arith.extui %eq3A_44 : i1 to i32
    %cond3A = arith.constant 0 : i32
    %cond3A_46 = arith.cmpi ne, %convert_element_type3A_45, %cond3A : i32
    scf.if %cond3A_46 {
      %broadcast_in_dim3A_59 = arith.constant 0.000000e+00 : f32
      %broadcast_in_dim3A_60 = vector.broadcast %broadcast_in_dim3A_59 : f32 to vector<1x1xf32>
      %swap3A_61 = arith.constant 0 : index
      %swap3A_62 = arith.constant 0 : index
      %swap3A_63 = vector.load %arg6[%swap3A_61, %swap3A_62] : memref<1x1xf32, #tpu.memory_space<vmem>>, vector<1x1xf32>
      tpu.vector_store %arg6[%swap3A_61, %swap3A_62], %broadcast_in_dim3A_60 {strides = array<i32>} : memref<1x1xf32, #tpu.memory_space<vmem>>, vector<1x1xf32>,
    } else {
    }
    %select_n3A_47 = arith.select %lt3A, %broadcast_in_dim3A_23, %broadcast_in_dim3A : vector<512x1xi1>, vector<512x1xf32>
    %get3A_48 = arith.constant 0 : index
    %get3A_49 = arith.constant 0 : index
    %get3A_50 = vector.load %arg6[%get3A_48, %get3A_49] : memref<1x1xf32, #tpu.memory_space<vmem>>, vector<1x1xf32>
    %reduce_sum3A = vector.shape_cast %select_n3A_47 : vector<512x1xf32> to vector<1x512x1xf32>
    %reduce_sum3A_51 = arith.constant dense<0.000000e+00> : vector<1xf32>
    %reduce_sum3A_52 = vector.multi_reduction <add>, %reduce_sum3A, %reduce_sum3A_51 [1, 2] : vector<1x512x1xf32> to vector<1xf32>
    %reduce_sum3A_53 = vector.shape_cast %reduce_sum3A_52 : vector<1xf32> to vector<1x1x1xf32>
    %reduce_sum3A_54 = vector.extract %reduce_sum3A_53[0, 0, 0] : f32 from vector<1x1x1xf32>
    %reshape3A = vector.broadcast %reduce_sum3A_54 : f32 to vector<1x1xf32>
    %add3A_55 = arith.addf %get3A_50, %reshape3A : vector<1x1xf32>
    %swap3A_56 = arith.constant 0 : index
    %swap3A_57 = arith.constant 0 : index
    %swap3A_58 = vector.load %arg6[%swap3A_56, %swap3A_57] : memref<1x1xf32, #tpu.memory_space<vmem>>, vector<1x1xf32>
    tpu.vector_store %arg6[%swap3A_56, %swap3A_57], %add3A_55 {strides = array<i32>} : memref<1x1xf32, #tpu.memory_space<vmem>>, vector<1x1xf32>,
    return
  }
  func.func @transform_0(%arg0: i32) -> (i32, i32) {
    %c0_i32 = arith.constant 0 : i32
    %c0_i32_0 = arith.constant 0 : i32
    return %arg0, %c0_i32 : i32, i32
  }
  func.func @transform_1(%arg0: i32) -> (i32, i32) {
    %c0_i32 = arith.constant 0 : i32
    %c0_i32_0 = arith.constant 0 : i32
    %c0_i32_1 = arith.constant 0 : i32
    return %c0_i32, %c0_i32_0 : i32, i32
  }
  func.func @transform_2(%arg0: i32) -> (i32, i32) {
    %c0_i32 = arith.constant 0 : i32
    %c0_i32_0 = arith.constant 0 : i32
    return %arg0, %c0_i32 : i32, i32
  }
  func.func @transform_3(%arg0: i32) -> (i32, i32) {
    %c0_i32 = arith.constant 0 : i32
    %c0_i32_0 = arith.constant 0 : i32
    %c0_i32_1 = arith.constant 0 : i32
    return %c0_i32, %c0_i32_0 : i32, i32
  }
  func.func @transform_4(%arg0: i32) -> (i32, i32, i32) {
    %c0_i32 = arith.constant 0 : i32
    %c0_i32_0 = arith.constant 0 : i32
    %c0_i32_1 = arith.constant 0 : i32
    return %arg0, %c0_i32, %c0_i32_0 : i32, i32, i32
  }
  func.func @transform_5(%arg0: i32) -> (i32, i32) {
    %c0_i32 = arith.constant 0 : i32
    %c0_i32_0 = arith.constant 0 : i32
    %c0_i32_1 = arith.constant 0 : i32
    return %c0_i32, %c0_i32_0 : i32, i32
  }
}

</mosaic_0001>

<sc_bundles>
// kernel: kernel.4.cloned.1.call-start
scs
__scs_entry_jumppad:
0x0: {  	(pc) =	sbr.rel $0x88, $3  }
0x1: {  	(tag) =	ssettag $0x0;
	lr =	simm.s32 $0x1  }
0x2: {  	[smem:$0x3F9F] =	sst lr;
	_ =	strace $0xD0000000  }
0x3: {  	_ = 	snop  }
0x4: {  	_ = 	snop  }
0x5: {  	_ = 	snop  }
0x6: {  	_ = 	snop  }
0x7: {  	_ = 	snop  }
__scs_overlays_trampoline_lowered:
0x8: {  	[smem:$0x3FAE] =	sst s0  }
0x9: {  	[smem:$0x3FAF] =	sst s1  }
0xa: {  	[smem:$0x3FB0] =	sst s2  }
0xb: {  	[smem:$0x3FB1] =	sst s3  }
0xc: {  	[smem:$0x3FB2] =	sst s4  }
0xd: {  	[smem:$0x3FB3] =	sst s5  }
0xe: {  	[smem:$0x3FB4] =	sst s6  }
0xf: {  	[smem:$0x3FB5] =	sst s7  }
0x10: {  	[smem:$0x3FB6] =	sst s8  }
0x11: {  	[smem:$0x3FB7] =	sst s9;
	s0 =	simm.s32 @!p0 $0x0  }
0x12: {  	s1 =	sld [smem:$0x3F9D];
	s0 =	simm.s32 @p0 $0x1  }
0x13: {  	[smem:$0x3FB8] =	sst s0;
	s0 =	simm.s32 @!p1 $0x0  }
0x14: {  	s2 =	sld [smem:$0x3F9C];
	s0 =	simm.s32 @p1 $0x1  }
0x15: {  	[smem:$0x3FB9] =	sst s0;
	s0 =	simm.s32 @!p2 $0x0  }
0x16: {  	s3 =	sld [smem:$0x3FDB];
	s0 =	simm.s32 @p2 $0x1  }
0x17: {  	s4 =	simm.s32 $0x1BF5;
	[smem:$0x3FBB] =	sst s0  }
0x18: {  	s0 =	sld [smem:$0x3F9E];
	_ =	swait.ge [sflag:s4], $0x0  }
0x19: {  	s7 =	sld [smem:$0x3F9F]  }
0x1a: {  	s8 =	sadd.s32 $0xFFFFE003, lr  }
0x1b: {  	s9 =	sadd.s32 $0xFFFFFEF7, lr;
	s5 =	simm.s32 $0xFFFFFFFF;
	p2 =	slt.u32 s8, $0xFFFFF086  }
0x1c: {  	p1 =	slt.u32 s9, $0xF7A;
	s5 =	simm.s32 @!p2 $0x0  }
0x1d: {  	s5 =	simm.s32 @p1 $0x1;
	p0 =	seq.s32 s7, s2  }
0x1e: {  	s7 =	smul.u32 @!p0 $0xF7A, s2;
	p2 =	seq.s32 @!p0 s5, $0x0  }
0x1f: {  	s9 =	smul.u32 $0xF7A, s1;
	s8 =	simm.s32 @!p0 $0x1BF5;
	p2 =	por !p2, p0  }
0x20: {  	[sflag:s8] =	ssyncset.s32 @!p0 $0xFFFFF086;
	s6 =	sadd.s32 @!p0 s3, s7;
	s7 =	simm.s32 @!p0 $0x108  }
0x21: {  	s3 =	sadd.s32 s3, s9;
	s6 =	sadd.s32 @!p0 $0x88, s6;
	s7 =	simm.s32 @p2 $0x1082  }
0x22: {  	[simem:s7], [sflag:s8] =	dma.local @!p0 [hbm:s6], $0xF7A  }
0x23: {  	s9 =	sor.u32 $0xD0000000, s2;
	s6 =	simm.s32 $0x108;
	_ =	swait.ge @!p0 [sflag:s8], $0x0  }
0x24: {  	s3 =	sadd.s32 $0x88, s3;
	s6 =	simm.s32 @!p1 $0x1082;
	[sflag:s4] =	ssyncset.s32 $0xFFFFF086  }
0x25: {  	[simem:s6], [sflag:s4] =	dma.local [hbm:s3], $0xF7A  }
0x26: {  	[smem:$0x3F9F] =	sst s1;
	(tag) =	ssettag s2;
	_ =	strace s9  }
0x27: {  	s1 =	sld [smem:$0x3FAF]  }
0x28: {  	s2 =	sld [smem:$0x3FB0]  }
0x29: {  	s4 =	sld [smem:$0x3FB2]  }
0x2a: {  	p0 =	seq.s32 s5, $0x0;
	s5 =	sld [smem:$0x3FB3]  }
0x2b: {  	s6 =	sld [smem:$0x3FB4]  }
0x2c: {  	s7 =	sld [smem:$0x3FB5]  }
0x2d: {  	s3 =	simm.s32 $0x108;
	s8 =	sld [smem:$0x3FB6]  }
0x2e: {  	s3 =	simm.s32 @!p0 $0x1082;
	s9 =	sld [smem:$0x3FB7]  }
0x2f: {  	lr =	sadd.s32 s0, s3;
	s0 =	sld [smem:$0x3FAE]  }
0x30: {  	s3 =	sld [smem:$0x3FB1]  }
0x31: {  	[smem:$0x3FBA] =	sst s10  }
0x32: {  	s10 =	sld [smem:$0x3FB8];
	_ =	sdelay $0x3  }
0x33: {  	p0 =	seq.s32 s10, $0x1;
	s10 =	sld [smem:$0x3FBA];
	_ =	sdelay $0x3  }
0x34: {  	[smem:$0x3FBA] =	sst s10  }
0x35: {  	s10 =	sld [smem:$0x3FB9];
	_ =	sdelay $0x3  }
0x36: {  	p1 =	seq.s32 s10, $0x1;
	s10 =	sld [smem:$0x3FBA];
	_ =	sdelay $0x3  }
0x37: {  	[smem:$0x3FBA] =	sst s10  }
0x38: {  	s10 =	sld [smem:$0x3FBB]  }
0x39: {  	_ = 	snop;
	(pc) =	sbr.ind lr, $3  }
0x3a: {  	_ = 	snop  }
0x3b: {  	_ = 	snop  }
0x3c: {  	p2 =	seq.s32 s10, $0x1;
	s10 =	sld [smem:$0x3FBA]  }
0x3d: {  	_ =	shalt  }
0x3e: {  	_ =	shalt  }
0x3f: {  	_ =	shalt  }
0x40: {  	_ =	shalt  }
0x41: {  	_ =	shalt  }
0x42: {  	_ =	shalt  }
0x43: {  	_ =	shalt  }
0x44: {  	_ =	shalt  }
0x45: {  	_ =	shalt  }
0x46: {  	_ =	shalt  }
0x47: {  	_ =	shalt  }
0x48: {  	_ =	shalt  }
0x49: {  	_ =	shalt  }
0x4a: {  	_ =	shalt  }
0x4b: {  	_ =	shalt  }
0x4c: {  	_ =	shalt  }
0x4d: {  	_ =	shalt  }
0x4e: {  	_ =	shalt  }
0x4f: {  	_ =	shalt  }
0x50: {  	_ =	shalt  }
0x51: {  	_ =	shalt  }
0x52: {  	_ =	shalt  }
0x53: {  	_ =	shalt  }
0x54: {  	_ =	shalt  }
0x55: {  	_ =	shalt  }
0x56: {  	_ =	shalt  }
0x57: {  	_ =	shalt  }
0x58: {  	_ =	shalt  }
0x59: {  	_ =	shalt  }
0x5a: {  	_ =	shalt  }
0x5b: {  	_ =	shalt  }
0x5c: {  	_ =	shalt  }
0x5d: {  	_ =	shalt  }
0x5e: {  	_ =	shalt  }
0x5f: {  	_ =	shalt  }
0x60: {  	_ =	shalt  }
0x61: {  	_ =	shalt  }
0x62: {  	_ =	shalt  }
0x63: {  	_ =	shalt  }
0x64: {  	_ =	shalt  }
0x65: {  	_ =	shalt  }
0x66: {  	_ =	shalt  }
0x67: {  	_ =	shalt  }
0x68: {  	_ =	shalt  }
0x69: {  	_ =	shalt  }
0x6a: {  	_ =	shalt  }
0x6b: {  	_ =	shalt  }
0x6c: {  	_ =	shalt  }
0x6d: {  	_ =	shalt  }
0x6e: {  	_ =	shalt  }
0x6f: {  	_ =	shalt  }
0x70: {  	_ =	shalt  }
0x71: {  	_ =	shalt  }
0x72: {  	_ =	shalt  }
0x73: {  	_ =	shalt  }
0x74: {  	_ =	shalt  }
0x75: {  	_ =	shalt  }
0x76: {  	_ =	shalt  }
0x77: {  	_ =	shalt  }
0x78: {  	_ =	shalt  }
0x79: {  	_ =	shalt  }
0x7a: {  	_ =	shalt  }
0x7b: {  	_ =	shalt  }
0x7c: {  	_ =	shalt  }
0x7d: {  	_ =	shalt  }
0x7e: {  	_ =	shalt  }
0x7f: {  	_ =	shalt  }
0x80: {  	_ =	shalt  }
0x81: {  	_ =	shalt  }
0x82: {  	_ =	shalt  }
0x83: {  	_ =	shalt  }
0x84: {  	_ =	shalt  }
0x85: {  	_ =	shalt  }
0x86: {  	_ =	shalt  }
0x87: {  	_ =	shalt  }
.Lfunc_end0:
.L_simem_size_0:
called_computation_lowered:
.L_overlay_start_0:
0x88: {  	s2 =	sld [smem:$0x3FD9]  }
0x89: {  	s3 =	sld [smem:$0x3FFE];
	_ =	sdelay $0x1  }
0x8a: {  	s1 =	srdreg.scid  }
0x8b: {  	s0 =	sand.u32 $0x1, s1  }
0x8c: {  	s14 =	sshll.u32 s0, $0xA;
	s2 =	sadd.s32 s3, s2  }
0x8d: {  	s2 =	sadd.s32 s2, s14  }
0x8e: {  	[smem:$0x3FC6] =	sst s2  }
0x8f: {  	_ = 	snop  }
0x90: {  	s2 =	sld [smem:$0x3FD0];
	_ =	sdelay $0x2  }
0x91: {  	s15 =	simm.s32 $0xA;
	s4 =	simm.s32 $0x10  }
0x92: {  	[smem:s4], [sflag:s15] =	dma.local [hbm:s2], $0x1  }
0x93: {  	_ =	swait.eq [sflag:s15], $0x1  }
0x94: {  	[sflag:s15] =	ssyncset.done $0x0  }
0x95: {  	s16 =	sld [smem:$0x11];
	[sflag:s15] =	ssyncadd.s32 $0xFFFFFFFF  }
0x96: {  	s17 =	sld [smem:$0x13];
	(tm) =	ssettm $0x1  }
0x97: {  	s18 =	sld [smem:$0x3FFB];
	_ =	sdelay $0x3  }
0x98: {  	_ =	strace s18  }
0x99: {  	s4 =	sld [smem:$0x3FFC];
	_ =	sdelay $0x3  }
0x9a: {  	_ =	strace s4  }
0x9b: {  	s4 =	sld [smem:$0x3FFD];
	_ =	sdelay $0x3  }
0x9c: {  	_ =	strace s4  }
0x9d: {  	_ =	strace $0x8FFFFFFF  }
0x9e: {  	s19 =	sld [smem:$0x3FDB];
	_ =	sdelay $0x1  }
0x9f: {  	s5 =	simm.s32 $_scs_section_size  }
0xa0: {  	s6 =	simm.s32 $_size__tile_overlayer_lowered;
	s7 =	simm.s32 $_tile_overlayer_lowered  }
0xa1: {  	s22 =	simm.s32 $0x1BFF;
	s21 =	sshll.u32 s7, $0x1;
	s4 =	sadd.s32 s5, s19  }
0xa2: {  	s8 =	simm.s32 $0x0;
	s20 =	sshll.u32 s6, $0x1;
	s6 =	sadd.s32 s21, s4  }
0xa3: {  	[timem:s8], [sflag:s22] =	dma.local [hbm:s6], s20  }
0xa4: {  	_ =	swait.ge [sflag:s22], s20  }
0xa5: {  	s5 =	ssub.s32 $0x0, s20;
	[sflag:s22] =	ssyncset.done $0x0  }
0xa6: {  	[sflag:s22] =	ssyncadd.s32 s5;
	_ =	sdelay $0x1  }
0xa7: {  	s23 =	simm.s32 $0x1B8B  }
0xa8: {  	_ =	swait.ge [sflag:s23], $0x1  }
0xa9: {  	[sflag:s23] =	ssyncset.done $0x0  }
0xaa: {  	s25 =	simm.s32 $0x1B8E;
	s24 =	sld [smem:$0x3FFE];
	[sflag:s23] =	ssyncadd.s32 $0xFFFFFFFF  }
0xab: {  	s26 =	simm.s32 $execute0_lowered;
	[smem:$0x3FD2] =	sst s25  }
0xac: {  	s6 =	sshll.u32 s26, $0x1;
	_ =	strace $0x80000046;
	[dreg:$0x1] =	wrdreg $0xFFFFFFFF  }
0xad: {  	s28 =	simm.s32 $_size_execute0_lowered;
	s4 =	sadd.s32 s4, s6;
	[dreg:$0x0] =	wrdreg $0x0  }
0xae: {  	s6 =	sshll.u32 s28, $0x1;
	[dreg:$0x2] =	wrdreg s4  }
0xaf: {  	[dreg:$0x3] =	wrdreg s6  }
0xb0: {  	[dreg:$0x4] =	wrdreg $0xC0  }
0xb1: {  	_ =	task [dreg:s8], $0x5FFFF  }
0xb2: {  	[dreg:$0x1] =	wrdreg $0xFFFFFFFF  }
0xb3: {  	[dreg:$0x0] =	wrdreg $0x60  }
0xb4: {  	[dreg:$0x2] =	wrdreg s24  }
0xb5: {  	[dreg:$0x3] =	wrdreg s17  }
0xb6: {  	[dreg:$0x4] =	wrdreg s16  }
0xb7: {  	[dreg:$0x5] =	wrdreg $0x104000  }
0xb8: {  	[dreg:$0x6] =	wrdreg $0x9  }
0xb9: {  	_ =	task.clear_ibuf [dreg:s8], $0x7FFFF;
	_ =	strace $0x90000046  }
0xba: {  	s29 =	simm.s32 $0x9;
	_ =	strace $0x80000048  }
0xbb: {  	_ =	swait.ge [sflag:s29], $0x1  }
0xbc: {  	[sflag:s29] =	ssyncadd.s32 $0xFFFFFFFF  }
0xbd: {  	_ =	strace $0x90000048  }
0xbe: {  	_ =	sfence  }
0xbf: {  	s30 =	sld [smem:$0x0];
	_ =	sdelay $0x2  }
0xc0: {  	s31 =	sshll.u32 s1, $0xD;
	s1 =	sshrl.u32 s1, $0x2  }
0xc1: {  	s3 =	sand.u32 $0x4000, s31;
	s1 =	sadd.s32 s1, s30  }
0xc2: {  	s0 =	sor.u32 s3, s0;
	s1 =	sshll.u32 s1, $0x11  }
0xc3: {  	s0 =	sor.u32 s1, s0  }
0xc4: {  	s0 =	sadd.s32 $0x8F2B, s0  }
0xc5: {  	[sflag:s0] =	ssyncadd.remote.s32 $0x1  }
0xc6: {  	_ =	sfence.sel $0xFFFF  }
0xc7: {  	[dreg:$0x0] =	wrdreg $0xFFFFFFFF;
	(pc) =	sbr.abs _section_cstart, $3  }
0xc8: {  	[dreg:$0x1] =	wrdreg $0xFFFFFFFF  }
0xc9: {  	_ =	task.clear_ibuf [dreg:s8], $0x2FFFF;
	_ =	strace $0x9FFFFFFF  }
0xca: {  	(tm) =	ssettm $0x7FFFFFFF  }
0xcb: {  	_ =	shalt  }
tec
execute0_lowered:
.L_overlay_start_1:
0x0: {  	(tag) =	ssettag $0x1  }
0x1: {  	s3 =	rddreg [dreg:$0x0]  }
0x2: {  	s4 =	rddreg [dreg:$0x1]  }
0x3: {  	s6 =	rddreg [dreg:$0x2];
	s5 =	srdreg.scid  }
0x4: {  	s1 =	rddreg [dreg:$0x3];
	s7 =	sand.u32 $0x1, s5  }
0x5: {  	s0 =	rddreg [dreg:$0x4];
	s2 =	simm.s32 $0x0;
	s11 =	ssub.s32 $0x2, s7  }
0x6: {  	s8 =	stileid.u32;
	p1 =	por $0x0, $0x0;
	s14 =	sshrl.u32 s11, $0x1  }
0x7: {  	[smem:$0x7FF] =	sst s2;
	s29 =	sshll.u32 s8, $0xA;
	s14 =	ssub.s32 s11, s14  }
0x8: {  	s5 =	sadd.s32 $0x600, s3;
	s12 =	sadd.s32 $0x20E00, s3;
	s31 =	smax.u32 s14, $0x1  }
0x9: {  	p0 =	sne.s32 s8, $0x0;
	s8 =	simm.s32 $0x10200;
	s16 =	sadd.s32 $0xFFFFFFFF, s31  }
0xa: {  	s9 =	sshll.u32 s7, $0x9;
	_ =	strace $0x80000047;
	p2 =	sne.s32 s16, $0x0  }
.Ltmp0:
0xb: {  	s7 =	sshll.u32 s7, $0x4;
	s9 =	sor.u32 s9, s29;
	(pc) =	sbr.rel @!p2 .LBB2_3-.Ltmp0, $4  }
0xc: {  	s10 =	sshrl.u32 s9, $0x3;
	s30 =	sshll.u32 s9, $0x4;
	s9 =	simm.s32 $0x200  }
0xd: {  	s13 =	sadd.s32 s10, s3;
	s3 =	sadd.s32 s7, s3;
	s11 =	sadd.s32 s4, s10  }
0xe: {  	s7 =	sadd.s32 s6, s30;
	s4 =	sshrl.u32 @!p0 s1, $0x3;
	s6 =	simm.s32 $0x2  }
0xf: {  	s10 =	sadd.s32 $0x20600, s13;
	s3 =	sadd.s32 $0x21200, s3;
	s13 =	simm.s32 $0x1  }
0x10: {  	s15 =	simm.s32 @!p0 $0x1C02;
	s14 =	simm.s32 @!p0 $0x2  }
0x11: {  	[spmem:s4], [sflag:s15] =	dma.local @!p0 [hbm:s12], $0x400  }
0x12: {  	_ =	swait.ge @!p0 [sflag:s14], $0x400  }
0x13: {  	[sflag:s14] =	ssyncset.done @!p0 $0x0  }
0x14: {  	[sflag:s14] =	ssyncadd.s32 @!p0 $0xFFFFFC00  }
0x15: {  	[tilespmem:s2], [sflag:$0x2] =	stream.linear.gather [hbm4b:s11+s2], $0x200, $0x38;
	[tilespmem:$0x10600] =	vst v63  }
0x16: {  	_ =	swait.ge [sflag:s6], $0x200  }
0x17: {  	[sflag:s6] =	ssyncset.done $0x0  }
0x18: {  	[sflag:s6] =	ssyncadd.s32 $0xFFFFFE00  }
0x19: {  	[tilespmem:s8], [sflag:$0x2] =	stream.linear.gather [hbm4b:s10+s2], $0x200, $0x38;
	[tilespmem:$0x10600] =	vst v63  }
0x1a: {  	_ =	swait.ge [sflag:s6], $0x200  }
0x1b: {  	[sflag:s6] =	ssyncset.done $0x0  }
0x1c: {  	[sflag:s6] =	ssyncadd.s32 $0xFFFFFE00  }
0x1d: {  	[tilespmem:s9], [sflag:$0x1] =	stream.indirect.gather [hbm4b:s5+s9], $0x80, s2, s9, $0xb8;
	[tilespmem:$0x10600] =	vst v63  }
0x1e: {  	_ =	swait.ge [sflag:s13], $0x10000  }
0x1f: {  	[sflag:s13] =	ssyncset.done $0x0  }
0x20: {  	[sflag:s13] =	ssyncadd.s32 $0xFFFF0000  }
0x21: {  	[hbm4b:s7+s2] =	stream.linear.scatter [tilespmem:s9], [sflag:$0x2], $0x10000, $0x38;
	[tilespmem:$0x10600] =	vst v63  }
0x22: {  	_ =	swait.ge [sflag:s6], $0x10000  }
0x23: {  	[sflag:s6] =	ssyncset.done $0x0  }
0x24: {  	[sflag:s6] =	ssyncadd.s32 $0xFFFF0000  }
0x25: {  	[bflag:$0x0] =	sbarrier.arrive $0xFFFF  }
0x26: {  	[spmem:s1] =	stream.indirect.scatter.add.f32 [tilespmem:s8], [sflag:$0x2], $0x1, s2, s9, $0xb8;
	[tilespmem:$0x10600] =	vst v63  }
0x27: {  	s16 =	sadd.s32 $0xFFFFFFFF, s16;
	_ =	swait.ge [sflag:s6], $0x200  }
0x28: {  	p2 =	sne.s32 s16, $0x0;
	[sflag:s6] =	ssyncset.done $0x0  }
.Ltmp1:
0x29: {  	s17 =	simm.s32 @!p0 $0x10;
	[sflag:s6] =	ssyncadd.s32 $0xFFFFFE00;
	(pc) =	sbr.rel @!p2 .LBB2_3-.Ltmp1, $4  }
0x2a: {  	s18 =	simm.s32 @!p0 $0x1;
	s19 =	simm.s32 @!p0 $0x20;
	[bflag:$0x0] =	sbarrier.arrive $0xFFFF  }
0x2b: {  	[hbm:s3@s19], [sflag:s15] =	dma.strided @!p0 [spmem:s4@s17], $0x400, s18, $0x10   }
0x2c: {  	_ =	swait.ge @!p0 [sflag:s14], $0x400  }
0x2d: {  	p1 =	por $0x1, $0x1;
	[sflag:s14] =	ssyncset.done @!p0 $0x0  }
.LBB2_2:
0x2e: {  	[sflag:s14] =	ssyncadd.s32 @!p0 $0xFFFFFC00  }
0x2f: {  	[spmem:s4], [sflag:s15] =	dma.local @!p0 [hbm:s12], $0x400  }
0x30: {  	s16 =	sadd.s32 $0xFFFFFFFF, s16;
	_ =	swait.ge @!p0 [sflag:s14], $0x400  }
0x31: {  	p2 =	sne.s32 s16, $0x0;
	[sflag:s14] =	ssyncset.done @!p0 $0x0  }
0x32: {  	[sflag:s14] =	ssyncadd.s32 @!p0 $0xFFFFFC00  }
0x33: {  	[tilespmem:s2], [sflag:$0x2] =	stream.linear.gather [hbm4b:s11+s2], $0x200, $0x38;
	[tilespmem:$0x10600] =	vst v63  }
0x34: {  	_ =	swait.ge [sflag:s6], $0x200  }
0x35: {  	[sflag:s6] =	ssyncset.done $0x0  }
0x36: {  	[sflag:s6] =	ssyncadd.s32 $0xFFFFFE00  }
0x37: {  	[tilespmem:s8], [sflag:$0x2] =	stream.linear.gather [hbm4b:s10+s2], $0x200, $0x38;
	[tilespmem:$0x10600] =	vst v63  }
0x38: {  	_ =	swait.ge [sflag:s6], $0x200  }
0x39: {  	[sflag:s6] =	ssyncset.done $0x0  }
0x3a: {  	[sflag:s6] =	ssyncadd.s32 $0xFFFFFE00  }
0x3b: {  	[tilespmem:s9], [sflag:$0x1] =	stream.indirect.gather [hbm4b:s5+s9], $0x80, s2, s9, $0xb8;
	[tilespmem:$0x10600] =	vst v63  }
0x3c: {  	_ =	swait.ge [sflag:s13], $0x10000  }
0x3d: {  	[sflag:s13] =	ssyncset.done $0x0  }
0x3e: {  	[sflag:s13] =	ssyncadd.s32 $0xFFFF0000  }
0x3f: {  	[hbm4b:s7+s2] =	stream.linear.scatter [tilespmem:s9], [sflag:$0x2], $0x10000, $0x38;
	[tilespmem:$0x10600] =	vst v63  }
0x40: {  	_ =	swait.ge [sflag:s6], $0x10000  }
0x41: {  	[sflag:s6] =	ssyncset.done $0x0  }
0x42: {  	[sflag:s6] =	ssyncadd.s32 $0xFFFF0000  }
0x43: {  	[bflag:$0x0] =	sbarrier.arrive $0xFFFF  }
0x44: {  	[spmem:s1] =	stream.indirect.scatter.add.f32 [tilespmem:s8], [sflag:$0x2], $0x1, s2, s9, $0xb8;
	[tilespmem:$0x10600] =	vst v63  }
0x45: {  	_ =	swait.ge [sflag:s6], $0x200  }
0x46: {  	[sflag:s6] =	ssyncset.done $0x0  }
.Ltmp2:
0x47: {  	[sflag:s6] =	ssyncadd.s32 $0xFFFFFE00;
	(pc) =	sbr.rel @p2 .LBB2_2-.Ltmp2, $4  }
0x48: {  	[bflag:$0x0] =	sbarrier.arrive $0xFFFF  }
0x49: {  	[hbm:s3@s19], [sflag:s15] =	dma.strided @!p0 [spmem:s4@s17], $0x400, s18, $0x10   }
0x4a: {  	_ =	swait.ge @!p0 [sflag:s14], $0x400  }
0x4b: {  	[sflag:s14] =	ssyncset.done @!p0 $0x0  }
.LBB2_3:
0x4c: {  	p1 =	por p0, !p1  }
0x4d: {  	s15 =	simm.s32 @!p0 $0x1C02;
	s16 =	simm.s32 @!p0 $0x2;
	[sflag:s14] =	ssyncadd.s32 @!p1 $0xFFFFFC00  }
0x4e: {  	[spmem:s4], [sflag:s15] =	dma.local @!p0 [hbm:s12], $0x400  }
0x4f: {  	_ =	swait.ge @!p0 [sflag:s16], $0x400  }
0x50: {  	[sflag:s16] =	ssyncset.done @!p0 $0x0  }
0x51: {  	[sflag:s16] =	ssyncadd.s32 @!p0 $0xFFFFFC00  }
0x52: {  	[tilespmem:s2], [sflag:$0x2] =	stream.linear.gather [hbm4b:s11+s2], $0x200, $0x38;
	[tilespmem:$0x10600] =	vst v63  }
0x53: {  	_ =	swait.ge [sflag:s6], $0x200  }
0x54: {  	[sflag:s6] =	ssyncset.done $0x0  }
0x55: {  	[sflag:s6] =	ssyncadd.s32 $0xFFFFFE00  }
0x56: {  	[tilespmem:s8], [sflag:$0x2] =	stream.linear.gather [hbm4b:s10+s2], $0x200, $0x38;
	[tilespmem:$0x10600] =	vst v63  }
0x57: {  	_ =	swait.ge [sflag:s6], $0x200  }
0x58: {  	[sflag:s6] =	ssyncset.done $0x0  }
0x59: {  	[sflag:s6] =	ssyncadd.s32 $0xFFFFFE00  }
0x5a: {  	[tilespmem:s9], [sflag:$0x1] =	stream.indirect.gather [hbm4b:s5+s9], $0x80, s2, s9, $0xb8;
	[tilespmem:$0x10600] =	vst v63  }
0x5b: {  	_ =	swait.ge [sflag:s13], $0x10000  }
0x5c: {  	[sflag:s13] =	ssyncset.done $0x0  }
0x5d: {  	[sflag:s13] =	ssyncadd.s32 $0xFFFF0000  }
0x5e: {  	[hbm4b:s7+s2] =	stream.linear.scatter [tilespmem:s9], [sflag:$0x2], $0x10000, $0x38;
	[tilespmem:$0x10600] =	vst v63  }
0x5f: {  	_ =	swait.ge [sflag:s6], $0x10000  }
0x60: {  	[sflag:s6] =	ssyncset.done $0x0  }
0x61: {  	[sflag:s6] =	ssyncadd.s32 $0xFFFF0000  }
0x62: {  	[bflag:$0x0] =	sbarrier.arrive $0xFFFF  }
0x63: {  	[spmem:s1] =	stream.indirect.scatter.add.f32 [tilespmem:s8], [sflag:$0x2], $0x1, s2, s9, $0xb8;
	[tilespmem:$0x10600] =	vst v63  }
0x64: {  	_ =	swait.ge [sflag:s6], $0x200  }
0x65: {  	[sflag:s6] =	ssyncset.done $0x0  }
0x66: {  	s5 =	simm.s32 @!p0 $0x20;
	[sflag:s6] =	ssyncadd.s32 $0xFFFFFE00  }
0x67: {  	s1 =	simm.s32 @!p0 $0x10;
	s2 =	simm.s32 @!p0 $0x1;
	[bflag:$0x0] =	sbarrier.arrive $0xFFFF  }
0x68: {  	[hbm:s3@s5], [sflag:s15] =	dma.strided @!p0 [spmem:s4@s1], $0x400, s2, $0x10   }
0x69: {  	_ =	swait.ge @!p0 [sflag:s16], $0x400  }
0x6a: {  	[sflag:s16] =	ssyncset.done @!p0 $0x0  }
0x6b: {  	[sflag:s16] =	ssyncadd.s32 @!p0 $0xFFFFFC00  }
0x6c: {  	_ =	sfence.sel $0x180000  }
0x6d: {  	[bflag:$0x0] =	sbarrier.arrive $0xFFFF  }
0x6e: {  	_ =	strace $0x90000047  }
0x6f: {  	s0 =	sadd.s32 @!p0 $0x100000, s0;
	[bflag:$0x2] =	sbarrier.arrive $0xFFFF  }
0x70: {  	[sflag:s0] =	ssyncadd.tile.s32 @!p0 $0x1;
	_ =	shalt  }
.Lfunc_end2:
_tile_overlayer_lowered:
.L_overlay_start_2:
0x71: {  	(tag) =	ssettag $0x2  }
0x72: {  	s0 =	rddreg [dreg:$0x0];
	s2 =	stileid.u32  }
0x73: {  	s1 =	rddreg [dreg:$0x1];
	p0 =	sne.s32 s2, $0x0  }
0x74: {  	s3 =	rddreg [dreg:$0x2];
	[bflag:$0x3] =	sbarrier.arrive $0xFFFF;
	s2 =	simm.s32 @!p0 $0x1C02  }
0x75: {  	[timem:s3], [sflag:s2] =	dma.local @!p0 [hbm:s0], s1  }
0x76: {  	s0 =	simm.s32 @!p0 $0x2  }
0x77: {  	_ =	swait.ge @!p0 [sflag:s0], s1  }
0x78: {  	s1 =	ssub.s32 @!p0 $0x0, s1;
	[sflag:s0] =	ssyncset.done @!p0 $0x0  }
0x79: {  	[sflag:s0] =	ssyncadd.s32 @!p0 s1  }
0x7a: {  	[bflag:$0x3] =	sbarrier.arrive $0xFFFF  }
0x7b: {  	_ =	shalt  }

</sc_bundles>
